<compile_context>
chip_gen: v7x
topology: tpu7x:2x2x1
jax: 0.10.2.dev20260603
libtpu: 0.0.44.dev20260713+nightly
codegen_flags: <defaults>
</compile_context>

<pallas_src>
import numpy as np
import jax
import jax.numpy as jnp
from jax import lax
from jax.experimental import pallas as pl
from jax.experimental.pallas import tpu as pltpu
from jax.experimental.pallas import tpu_sc as plsc

B, T, N, SD, E, S = 32, 32, 8, 128, 32, 32
BS = B * T
SN = S * N
NW = 32
RPW = BS * S // NW
BPW = BS // NW
STEPS = RPW // 2


def _threefry2x32(k0, k1, x0, x1):
    rot = ((13, 15, 26, 6), (17, 29, 16, 24))
    ks = [np.uint32(k0), np.uint32(k1),
          np.uint32(k0) ^ np.uint32(k1) ^ np.uint32(0x1BD11BDA)]
    x0 = (x0 + ks[0]).astype(np.uint32)
    x1 = (x1 + ks[1]).astype(np.uint32)
    for i in range(5):
        for r in rot[i % 2]:
            x0 = (x0 + x1).astype(np.uint32)
            x1 = ((x1 << np.uint32(r)) | (x1 >> np.uint32(32 - r))).astype(np.uint32)
            x1 = x1 ^ x0
        x0 = (x0 + ks[(i + 1) % 3]).astype(np.uint32)
        x1 = (x1 + ks[(i + 2) % 3] + np.uint32(i + 1)).astype(np.uint32)
    return x0, x1


def _uniform_key42(shape):
    size = int(np.prod(shape))
    counts = np.arange(size, dtype=np.uint32)
    b0, b1 = _threefry2x32(0, 42, np.zeros(size, np.uint32), counts)
    bits = (b0 ^ b1).reshape(shape)
    f = ((bits >> np.uint32(9)) | np.uint32(0x3F800000)).view(np.float32)
    return np.maximum(0.0, f - 1.0).astype(np.float32)


def _sampling_constants():
    u = _uniform_key42((BS * S, N))
    gc = np.argsort(u, axis=1, kind="stable").astype(np.int32)
    r_idx = np.arange(BS * S)
    b_local = ((r_idx // S) % BPW).astype(np.int32)
    gc_adj = gc + (b_local * N)[:, None]
    seg = (r_idx % 2).astype(np.int32)
    idx = np.maximum(gc - 1, 0) + (seg * 8)[:, None]
    packed = gc_adj | (idx << 8) | (gc << 12)
    return packed.reshape(-1).astype(np.int32)


_SC_PACK = _sampling_constants()

SC4 = 1
CH = S // SC4
XL = SC4 * N * E


def _mixer_constants():
    x = np.arange(XL)
    s4 = x // (N * E)
    i = (x // E) % N
    e = x % E
    exp_ie = np.zeros((E, XL), np.float32)
    exp_ie[e, x] = 1.0
    exp_q = np.zeros((N, XL), np.float32)
    exp_q[i, x] = 1.0
    expc = np.zeros((SC4 * N, XL), np.float32)
    expc[s4 * N + i, x] = 1.0
    red = np.zeros((XL, SC4 * N), np.float32)
    red[x, s4 * N + i] = 1.0
    sel32 = np.zeros((SC4 * N, N), np.float32)
    for ii in range(N):
        sel32[ii::N, ii] = 1.0 / S
    return exp_ie, exp_q, expc, red, sel32


_EXP_IE, _EXP_Q, _EXPC, _RED, _SEL32 = _mixer_constants()


def _dyn_gather(x, idx):
    return lax.gather(
        x, idx[:, None],
        dimension_numbers=lax.GatherDimensionNumbers(
            offset_dims=(), collapsed_slice_dims=(0,), start_index_map=(0,)),
        slice_sizes=(1,), mode=lax.GatherScatterMode.PROMISE_IN_BOUNDS)


def _nv_sc_body(aq_hbm, pack_hbm, nv_hbm, qv, packv, outv, sem):
    wid = lax.axis_index("s") * 2 + lax.axis_index("c")
    rbase = wid * RPW * N
    cps = [
        pltpu.async_copy(aq_hbm.at[pl.ds(wid * BPW * N, BPW * N)], qv, sem),
        pltpu.async_copy(pack_hbm.at[pl.ds(rbase, RPW * N)], packv, sem),
    ]
    for c in cps:
        c.wait()

    lanes = lax.iota(jnp.int32, 16)
    odd = jnp.where(lanes < 8, 0.0, 1.0)
    sevens = jnp.full((16,), 7, jnp.int32)

    @plsc.parallel_loop(0, STEPS, 1, unroll=8)
    def step(t):
        o = t * 16
        w = packv[pl.ds(o, 16)]
        gcx = w & 255
        idx = (w >> 8) & 15
        g = (w >> 12) & 7
        gf = g.astype(jnp.float32)
        rden = jnp.where(g == 0, 0.0, 1.0 / jnp.maximum(gf, 1.0))
        pq = plsc.load_gather(qv, [gcx])
        ic = plsc.cumsum(pq)
        ga = _dyn_gather(ic, idx)
        ic7 = _dyn_gather(ic, sevens)
        outv[pl.ds(o, 16)] = (ga - ic7 * odd) * rden

    pltpu.sync_copy(outv, nv_hbm.at[pl.ds(wid * RPW * N, RPW * N)])


@jax.jit
def _nv_sc(aq_flat, pack):
    mesh = plsc.VectorSubcoreMesh(core_axis_name="c", subcore_axis_name="s")
    f = pl.kernel(
        _nv_sc_body,
        out_type=jax.ShapeDtypeStruct((BS * S * N,), jnp.float32),
        mesh=mesh,
        scratch_types=[
            pltpu.VMEM((BPW * N,), jnp.float32),
            pltpu.VMEM((RPW * N,), jnp.int32),
            pltpu.VMEM((RPW * N,), jnp.float32),
            pltpu.SemaphoreType.DMA,
        ],
        compiler_params=pltpu.CompilerParams(needs_layout_passes=False),
    )
    return f(aq_flat, pack)


def _mixer_kernel(states_ref, aq_ref, mf_ref, nv_ref, wcat_ref, bcat_ref,
                  v2w_ref, v2b_ref, tgt_ref, expie_ref, expq_ref, expc_ref,
                  red_ref, sel32_ref, out_ref, west_ref):
    bf = jnp.bfloat16
    st = states_ref[:, :]
    n = float(BS)
    ssum = jnp.sum(st, axis=0, keepdims=True)
    ssq = jnp.sum(st * st, axis=0, keepdims=True)
    bm = ssum / n
    bv = (ssq - n * bm * bm) / (n - 1.0)
    c0 = 1e-4
    tot = c0 + n
    new_mean = bm * n / tot
    m2 = 1.0 * c0 + bv * n + bm * bm * c0 * n / tot
    new_var = m2 / tot
    rs = (st - new_mean) * jax.lax.rsqrt(new_var)

    hyper = jnp.dot(rs, wcat_ref[:, :],
                    preferred_element_type=jnp.float32) + bcat_ref[:, :]
    w1a = jnp.abs(hyper[:, 0:E]).astype(bf)
    w1b = jnp.abs(hyper[:, E:2 * E]).astype(bf)
    b1 = hyper[:, 2 * E:3 * E].astype(bf)
    wf = jnp.abs(hyper[:, 3 * E:4 * E]).astype(bf)
    vh = jnp.maximum(hyper[:, 4 * E:5 * E], 0.0)
    v = jnp.dot(vh, v2w_ref[:, :],
                preferred_element_type=jnp.float32) + v2b_ref[:, :]

    expie = expie_ref[:, :]
    f32 = jnp.float32
    w1a_x = jnp.dot(w1a, expie, preferred_element_type=f32).astype(bf)
    w1b_x = jnp.dot(w1b, expie, preferred_element_type=f32).astype(bf)
    b1_x = jnp.dot(b1, expie, preferred_element_type=f32).astype(bf)
    wf_x = jnp.dot(wf, expie, preferred_element_type=f32).astype(bf)

    aq = aq_ref[:, :]
    q_x = jnp.dot(aq.astype(bf), expq_ref[:, :],
                  preferred_element_type=jnp.float32).astype(bf)
    t2 = q_x * w1b_x + b1_x

    nv = nv_ref[:, :].astype(bf)
    expc = expc_ref[:, :]
    red = red_ref[:, :]

    w_acc = jnp.zeros((BS, SC4 * N), jnp.float32)
    for c in range(CH):
        nv_c = nv[:, c * SC4 * N:(c + 1) * SC4 * N]
        nv_x = jnp.dot(nv_c, expc,
                       preferred_element_type=jnp.float32).astype(bf)
        p = nv_x * w1a_x + t2
        h = jnp.where(p > 0, p, jnp.exp(p) - 1.0)
        g = h * wf_x
        y4 = jnp.dot(g, red, preferred_element_type=jnp.float32)
        w_acc = w_acc + jnp.abs(y4 + v)
    west = jnp.dot(w_acc, sel32_ref[:, :],
                   preferred_element_type=jnp.float32) + 1.0
    west_ref[:, :] = west

    mf = mf_ref[:, :]
    out = jnp.sum((west * (1.0 - mf) + mf) * aq, axis=1, keepdims=True)
    qsum = jnp.sum(aq, axis=1, keepdims=True)
    tgt = tgt_ref[:, :].astype(jnp.float32)
    out_ref[:, :] = jnp.where(tgt != 0.0, qsum, out)


def kernel(states, actions, agent_qs, max_filter, W1w, W1b, B1w, B1b,
           Wfw, Wfb, V1w, V1b, V2w, V2b, target):
    wcat = jnp.concatenate([W1w, B1w, Wfw, V1w], axis=0).T
    bcat = jnp.concatenate([W1b, B1b, Wfb, V1b]).reshape(1, 5 * E)
    v2w = V2w.T
    v2b = V2b.reshape(1, 1)
    tgt = jnp.asarray(target, jnp.int32).reshape(1, 1)

    aq2d = agent_qs.reshape(BS, N)
    nv = _nv_sc(aq2d.reshape(-1), jnp.asarray(_SC_PACK)).reshape(BS, SN)

    bf = jnp.bfloat16
    out, west = pl.pallas_call(
        _mixer_kernel,
        out_shape=(
            jax.ShapeDtypeStruct((BS, 1), jnp.float32),
            jax.ShapeDtypeStruct((BS, N), jnp.float32),
        ),
    )(states.reshape(BS, SD), aq2d, max_filter.reshape(BS, N), nv,
      wcat, bcat, v2w, v2b, tgt,
      jnp.asarray(_EXP_IE).astype(bf), jnp.asarray(_EXP_Q).astype(bf),
      jnp.asarray(_EXPC).astype(bf), jnp.asarray(_RED).astype(bf),
      jnp.asarray(_SEL32))

    return out.reshape(B, T, 1), west.reshape(B, T, N)

# --- scband reference (transcript-rebuilt; emitter-appended) ---
"""Pipeline reference for scband-shapley-qmixer-63428077027892 (READ-ONLY COPY).

The authoritative reference and input builder live on the scoring server;
editing this copy changes nothing except your own understanding.
"""

import jax, jax.numpy as jnp
import numpy as np

B, T, N_AGENTS, STATE_DIM, EMBED, SAMPLE, N_ACTIONS = 32, 32, 8, 128, 32, 32, 10


def setup_inputs(seed: int = 0):
    key = jax.random.key(seed)
    ks = jax.random.split(key, 10)
    sc = 0.05
    return {
        "states": jax.random.normal(ks[0], (B, T, STATE_DIM), dtype=jnp.float32),
        "actions": jax.random.randint(ks[1], (B, T, N_AGENTS), 0, N_ACTIONS),
        "agent_qs": jax.random.normal(ks[2], (B, T, N_AGENTS), dtype=jnp.float32),
        "max_filter": jax.random.uniform(ks[3], (B, T, N_AGENTS), dtype=jnp.float32),
        "W1w": jax.random.normal(ks[4], (2 * EMBED, STATE_DIM), dtype=jnp.float32) * sc,
        "W1b": jnp.zeros((2 * EMBED,), dtype=jnp.float32),
        "B1w": jax.random.normal(ks[5], (EMBED, STATE_DIM), dtype=jnp.float32) * sc,
        "B1b": jnp.zeros((EMBED,), dtype=jnp.float32),
        "Wfw": jax.random.normal(ks[6], (EMBED, STATE_DIM), dtype=jnp.float32) * sc,
        "Wfb": jnp.zeros((EMBED,), dtype=jnp.float32),
        "V1w": jax.random.normal(ks[7], (EMBED, STATE_DIM), dtype=jnp.float32) * sc,
        "V1b": jnp.zeros((EMBED,), dtype=jnp.float32),
        "V2w": jax.random.normal(ks[8], (1, EMBED), dtype=jnp.float32) * sc,
        "V2b": jnp.zeros((1,), dtype=jnp.float32),
        "target": 0,
    }


def _normalise(states):
    # RunningMeanStd.update starting from mean=0, var=1, count=1e-4, then normalize
    rs = states.reshape(-1, STATE_DIM)
    n = rs.shape[0]
    bm = jnp.mean(rs, axis=0)
    bv = jnp.var(rs, axis=0, ddof=1)  # torch.var is unbiased by default
    c0 = 1e-4
    tot = c0 + n
    new_mean = bm * n / tot
    m2 = 1.0 * c0 + bv * n + bm ** 2 * c0 * n / tot
    new_var = m2 / tot
    return (rs - new_mean) / jnp.sqrt(new_var)


def _sample_grandcoalitions(bs):
    # replaces th.multinomial permutation sampling with fixed-key random permutations
    pkey = jax.random.key(42)
    u = jax.random.uniform(pkey, (bs * SAMPLE, N_AGENTS))
    gc = jnp.argsort(u, axis=1)  # random permutation per row
    ind = jax.nn.one_hot(gc, N_AGENTS, dtype=jnp.float32).reshape(bs, SAMPLE, N_AGENTS, N_AGENTS)
    seq = jnp.tril(jnp.ones((N_AGENTS, N_AGENTS), dtype=jnp.float32))
    sub = jnp.matmul(ind, seq)
    gc4 = jnp.broadcast_to(gc.reshape(bs, SAMPLE, 1, N_AGENTS), (bs, SAMPLE, N_AGENTS, N_AGENTS))
    return sub, ind, gc4


def _get_w_estimate(rs, qs, W1w, W1b, B1w, B1b, Wfw, Wfb, V1w, V1b, V2w, V2b):
    bs = rs.shape[0]
    sub, ind, gc4 = _sample_grandcoalitions(bs)
    sub_no_i = sub - ind
    qs_b = jnp.broadcast_to(qs[:, None, None, :, 0], (bs, SAMPLE, N_AGENTS, N_AGENTS))
    qs_g = jnp.take_along_axis(qs_b, gc4, axis=3)  # gather along agent dim
    coal = qs_g * sub_no_i
    denom = sub_no_i.sum(axis=3)
    denom = jnp.where(denom == 0, 1.0, denom)
    norm_vec = coal.sum(axis=3) / denom  # [bs, S, n]
    indiv = jnp.broadcast_to(qs[:, None, :, 0], (bs, SAMPLE, N_AGENTS))
    inp = jnp.stack([norm_vec.reshape(-1), indiv.reshape(-1)], axis=-1)[:, None, :]  # [M,1,2]
    st = jnp.broadcast_to(rs[:, None, None, :], (bs, SAMPLE, N_AGENTS, STATE_DIM)).reshape(-1, STATE_DIM)
    w1 = jnp.abs(st @ W1w.T + W1b).reshape(-1, 2, EMBED)
    b1 = (st @ B1w.T + B1b).reshape(-1, 1, EMBED)
    hidden = jax.nn.elu(jnp.matmul(inp, w1) + b1)
    wf = jnp.abs(st @ Wfw.T + Wfb).reshape(-1, EMBED, 1)
    v = (jax.nn.relu(st @ V1w.T + V1b) @ V2w.T + V2b).reshape(-1, 1, 1)
    y = jnp.matmul(hidden, wf) + v
    return jnp.abs(y).reshape(bs, SAMPLE, N_AGENTS).mean(axis=1)


def reference(states, actions, agent_qs, max_filter, W1w, W1b, B1w, B1b, Wfw, Wfb, V1w, V1b, V2w, V2b, target):
    Bd, Td, nA = agent_qs.shape
    rs = _normalise(states)
    qs = agent_qs.reshape(-1, nA, 1)
    w_est = _get_w_estimate(rs, qs, W1w, W1b, B1w, B1b, Wfw, Wfb, V1w, V1b, V2w, V2b)
    w_est = w_est + 1.0
    w_est = w_est.reshape(Bd, Td, nA)
    non_max_filter = 1.0 - max_filter
    out = ((w_est * non_max_filter + max_filter) * agent_qs).sum(axis=2, keepdims=True)
    out = jnp.where(target != 0, jnp.sum(agent_qs, axis=2, keepdims=True), out)
    return out, w_est

if __name__ == "__main__":
    import jax
    _d = setup_inputs()
    print(jax.jit(kernel)(*tuple(_d.values())))

</pallas_src>

<mosaic_0001>
#map = affine_map<(d0, d1) -> (0)>
module attributes {stable_mosaic.version = 14 : i64} {
  func.func @_nv_sc_body(%arg0: i32, %arg1: i32, %arg2: memref<8192xf32, #tpu.memory_space<hbm>>, %arg3: memref<262144xi32, #tpu.memory_space<hbm>>, %arg4: memref<262144xf32, #tpu.memory_space<hbm>>, %arg5: memref<256xf32, #tpu.memory_space<vmem>>, %arg6: memref<8192xi32, #tpu.memory_space<vmem>>, %arg7: memref<8192xf32, #tpu.memory_space<vmem>>, %arg8: memref<!tpu.dma_semaphore, #tpu.memory_space<semaphore_mem>>) attributes {dimension_semantics = [#tpu.dimension_semantics<core_parallel>, #tpu.dimension_semantics<subcore_parallel>], iteration_bounds = array<i64: 2, 16>, scalar_prefetch = 0 : i64, scratch_operands = 4 : i64, tpu.core_type = #tpu.core_type<sc_vector_subcore>, window_params = [{transform_indices = #map}, {transform_indices = #map}, {transform_indices = #map}]} {
    %mul3A = arith.constant 2 : i32
    %mul3A_0 = arith.muli %arg1, %mul3A : i32
    %add3A = arith.addi %mul3A_0, %arg0 : i32
    %mul3A_1 = arith.constant 1024 : i32
    %mul3A_2 = arith.muli %add3A, %mul3A_1 : i32
    %mul3A_3 = arith.constant 8 : i32
    %mul3A_4 = arith.muli %mul3A_2, %mul3A_3 : i32
    %mul3A_5 = arith.constant 32 : i32
    %mul3A_6 = arith.muli %add3A, %mul3A_5 : i32
    %mul3A_7 = arith.constant 8 : i32
    %mul3A_8 = arith.muli %mul3A_6, %mul3A_7 : i32
    %dma_start3A = tpu.memref_slice %arg2[%mul3A_8] : memref<8192xf32, #tpu.memory_space<hbm>> -> memref<256xf32, #tpu.memory_space<hbm>>
    %dma_start3A_9 = tpu.memref_slice %arg2[%mul3A_8] : memref<8192xf32, #tpu.memory_space<hbm>> -> memref<256xf32, #tpu.memory_space<hbm>>
    tpu.enqueue_dma source(%dma_start3A_9 : memref<256xf32, #tpu.memory_space<hbm>>) target(%arg5 : memref<256xf32, #tpu.memory_space<vmem>>) target_semaphore(%arg8 : memref<!tpu.dma_semaphore, #tpu.memory_space<semaphore_mem>>)
    %dma_start3A_10 = tpu.memref_slice %arg3[%mul3A_4] : memref<262144xi32, #tpu.memory_space<hbm>> -> memref<8192xi32, #tpu.memory_space<hbm>>
    %dma_start3A_11 = tpu.memref_slice %arg3[%mul3A_4] : memref<262144xi32, #tpu.memory_space<hbm>> -> memref<8192xi32, #tpu.memory_space<hbm>>
    tpu.enqueue_dma source(%dma_start3A_11 : memref<8192xi32, #tpu.memory_space<hbm>>) target(%arg6 : memref<8192xi32, #tpu.memory_space<vmem>>) target_semaphore(%arg8 : memref<!tpu.dma_semaphore, #tpu.memory_space<semaphore_mem>>)
    %dma_wait3A = tpu.memref_slice %arg2[%mul3A_8] : memref<8192xf32, #tpu.memory_space<hbm>> -> memref<256xf32, #tpu.memory_space<hbm>>
    %dma_wait3A_12 = tpu.memref_slice %arg2[%mul3A_8] : memref<8192xf32, #tpu.memory_space<hbm>> -> memref<256xf32, #tpu.memory_space<hbm>>
    tpu.wait_dma2 semaphore(%arg8 : memref<!tpu.dma_semaphore, #tpu.memory_space<semaphore_mem>>) src(%dma_wait3A_12 : memref<256xf32, #tpu.memory_space<hbm>>) dst(%arg5 : memref<256xf32, #tpu.memory_space<vmem>>)
    %dma_wait3A_13 = tpu.memref_slice %arg3[%mul3A_4] : memref<262144xi32, #tpu.memory_space<hbm>> -> memref<8192xi32, #tpu.memory_space<hbm>>
    %dma_wait3A_14 = tpu.memref_slice %arg3[%mul3A_4] : memref<262144xi32, #tpu.memory_space<hbm>> -> memref<8192xi32, #tpu.memory_space<hbm>>
    tpu.wait_dma2 semaphore(%arg8 : memref<!tpu.dma_semaphore, #tpu.memory_space<semaphore_mem>>) src(%dma_wait3A_14 : memref<8192xi32, #tpu.memory_space<hbm>>) dst(%arg6 : memref<8192xi32, #tpu.memory_space<vmem>>)
    %iota3A = tpu.iota {dimensions = array<i32: 0>} : vector<16xi32>
    %lt3A = arith.constant 8 : i32
    %lt3A_15 = vector.broadcast %lt3A : i32 to vector<16xi32>
    %lt3A_16 = arith.cmpi slt, %iota3A, %lt3A_15 : vector<16xi32>
    %jit3A = arith.constant 0.000000e+00 : f32
    %jit3A_17 = arith.constant 1.000000e+00 : f32
    %broadcast_in_dim3A = vector.broadcast %jit3A : f32 to vector<16xf32>
    %broadcast_in_dim3A_18 = vector.broadcast %jit3A_17 : f32 to vector<16xf32>
    %select_n3A = arith.select %lt3A_16, %broadcast_in_dim3A, %broadcast_in_dim3A_18 : vector<16xi1>, vector<16xf32>
    %broadcast_in_dim3A_19 = arith.constant 7 : i32
    %broadcast_in_dim3A_20 = vector.broadcast %broadcast_in_dim3A_19 : i32 to vector<16xi32>
    %parallel_loop3A = arith.constant 0 : i32
    %parallel_loop3A_21 = arith.constant 512 : i32
    %parallel_loop3A_22 = arith.constant 1 : i32
    scf.for %parallel_loop3A_27 = %parallel_loop3A to %parallel_loop3A_21 step %parallel_loop3A_22  : i32 {
      %parallel_loop3A_28 = arith.constant 16 : i32
      %parallel_loop3A_29 = arith.muli %parallel_loop3A_27, %parallel_loop3A_28 : i32
      %parallel_loop3A_30 = arith.index_cast %parallel_loop3A_29 : i32 to index
      %parallel_loop3A_31 = tpu.vector_load %arg6[%parallel_loop3A_30] {strides = array<i32>} : memref<8192xi32, #tpu.memory_space<vmem>>, vector<16xi32>,
      %parallel_loop3A_32 = arith.constant 255 : i32
      %parallel_loop3A_33 = vector.broadcast %parallel_loop3A_32 : i32 to vector<16xi32>
      %parallel_loop3A_34 = arith.andi %parallel_loop3A_31, %parallel_loop3A_33 : vector<16xi32>
      %parallel_loop3A_35 = arith.constant 8 : i32
      %parallel_loop3A_36 = vector.broadcast %parallel_loop3A_35 : i32 to vector<16xi32>
      %parallel_loop3A_37 = arith.shrsi %parallel_loop3A_31, %parallel_loop3A_36 : vector<16xi32>
      %parallel_loop3A_38 = arith.constant 15 : i32
      %parallel_loop3A_39 = vector.broadcast %parallel_loop3A_38 : i32 to vector<16xi32>
      %parallel_loop3A_40 = arith.andi %parallel_loop3A_37, %parallel_loop3A_39 : vector<16xi32>
      %parallel_loop3A_41 = arith.constant 12 : i32
      %parallel_loop3A_42 = vector.broadcast %parallel_loop3A_41 : i32 to vector<16xi32>
      %parallel_loop3A_43 = arith.shrsi %parallel_loop3A_31, %parallel_loop3A_42 : vector<16xi32>
      %parallel_loop3A_44 = arith.constant 7 : i32
      %parallel_loop3A_45 = vector.broadcast %parallel_loop3A_44 : i32 to vector<16xi32>
      %parallel_loop3A_46 = arith.andi %parallel_loop3A_43, %parallel_loop3A_45 : vector<16xi32>
      %parallel_loop3A_47 = arith.sitofp %parallel_loop3A_46 : vector<16xi32> to vector<16xf32>
      %parallel_loop3A_48 = arith.constant 0 : i32
      %parallel_loop3A_49 = vector.broadcast %parallel_loop3A_48 : i32 to vector<16xi32>
      %parallel_loop3A_50 = arith.cmpi eq, %parallel_loop3A_46, %parallel_loop3A_49 : vector<16xi32>
      %parallel_loop3A_51 = arith.constant 1.000000e+00 : f32
      %parallel_loop3A_52 = vector.broadcast %parallel_loop3A_51 : f32 to vector<16xf32>
      %parallel_loop3A_53 = arith.maximumf %parallel_loop3A_47, %parallel_loop3A_52 : vector<16xf32>
      %parallel_loop3A_54 = arith.constant 1.000000e+00 : f32
      %parallel_loop3A_55 = vector.broadcast %parallel_loop3A_54 : f32 to vector<16xf32>
      %parallel_loop3A_56 = arith.divf %parallel_loop3A_55, %parallel_loop3A_53 : vector<16xf32>
      %parallel_loop3A_57 = arith.constant 0.000000e+00 : f32
      %parallel_loop3A_58 = vector.broadcast %parallel_loop3A_57 : f32 to vector<16xf32>
      %parallel_loop3A_59 = arith.select %parallel_loop3A_50, %parallel_loop3A_58, %parallel_loop3A_56 : vector<16xi1>, vector<16xf32>
      %parallel_loop3A_60 = tpu.vector_load_idx %arg5[%parallel_loop3A_34] : memref<256xf32, #tpu.memory_space<vmem>>[vector<16xi32>], vector<16xf32>,
      %parallel_loop3A_61 = arith.constant true
      %parallel_loop3A_62 = vector.broadcast %parallel_loop3A_61 : i1 to vector<16xi1>
      %parallel_loop3A_63 = tpu.scan <sum>, %parallel_loop3A_60 masked %parallel_loop3A_62 : vector<16xf32>, vector<16xi1> -> vector<16xf32>
      %parallel_loop3A_64 = vector.shape_cast %parallel_loop3A_40 : vector<16xi32> to vector<16x1xi32>
      %parallel_loop3A_65 = vector.shape_cast %parallel_loop3A_64 : vector<16x1xi32> to vector<16xi32>
      %parallel_loop3A_66 = tpu.dynamic_gather %parallel_loop3A_63[%parallel_loop3A_65] in [0] : vector<16xf32>, vector<16xi32> -> vector<16xf32>
      %parallel_loop3A_67 = vector.shape_cast %broadcast_in_dim3A_20 : vector<16xi32> to vector<16x1xi32>
      %parallel_loop3A_68 = vector.shape_cast %parallel_loop3A_67 : vector<16x1xi32> to vector<16xi32>
      %parallel_loop3A_69 = tpu.dynamic_gather %parallel_loop3A_63[%parallel_loop3A_68] in [0] : vector<16xf32>, vector<16xi32> -> vector<16xf32>
      %parallel_loop3A_70 = arith.mulf %parallel_loop3A_69, %select_n3A : vector<16xf32>
      %parallel_loop3A_71 = arith.subf %parallel_loop3A_66, %parallel_loop3A_70 : vector<16xf32>
      %parallel_loop3A_72 = arith.mulf %parallel_loop3A_71, %parallel_loop3A_59 : vector<16xf32>
      %parallel_loop3A_73 = arith.index_cast %parallel_loop3A_29 : i32 to index
      %parallel_loop3A_74 = tpu.vector_load %arg7[%parallel_loop3A_73] {strides = array<i32>} : memref<8192xf32, #tpu.memory_space<vmem>>, vector<16xf32>,
      tpu.vector_store %arg7[%parallel_loop3A_73], %parallel_loop3A_72 {strides = array<i32>} : memref<8192xf32, #tpu.memory_space<vmem>>, vector<16xf32>,
    } {sc.loop_unroll_factor = 8 : i64, sc.parallel_access}
    %mul3A_23 = arith.constant 1024 : i32
    %mul3A_24 = arith.muli %add3A, %mul3A_23 : i32
    %mul3A_25 = arith.constant 8 : i32
    %mul3A_26 = arith.muli %mul3A_24, %mul3A_25 : i32
    "tpu.region"() ({
      %run_scoped3A = tpu.sem_alloc : memref<!tpu.dma_semaphore, #tpu.memory_space<semaphore_mem>>
      %dma_start3A_27 = tpu.memref_slice %arg4[%mul3A_26] : memref<262144xf32, #tpu.memory_space<hbm>> -> memref<8192xf32, #tpu.memory_space<hbm>>
      %dma_start3A_28 = tpu.memref_slice %arg4[%mul3A_26] : memref<262144xf32, #tpu.memory_space<hbm>> -> memref<8192xf32, #tpu.memory_space<hbm>>
      tpu.enqueue_dma source(%arg7 : memref<8192xf32, #tpu.memory_space<vmem>>) target(%dma_start3A_28 : memref<8192xf32, #tpu.memory_space<hbm>>) target_semaphore(%run_scoped3A : memref<!tpu.dma_semaphore, #tpu.memory_space<semaphore_mem>>)
      %dma_wait3A_29 = tpu.memref_slice %arg4[%mul3A_26] : memref<262144xf32, #tpu.memory_space<hbm>> -> memref<8192xf32, #tpu.memory_space<hbm>>
      %dma_wait3A_30 = tpu.memref_slice %arg4[%mul3A_26] : memref<262144xf32, #tpu.memory_space<hbm>> -> memref<8192xf32, #tpu.memory_space<hbm>>
      tpu.wait_dma2 semaphore(%run_scoped3A : memref<!tpu.dma_semaphore, #tpu.memory_space<semaphore_mem>>) src(%arg7 : memref<8192xf32, #tpu.memory_space<vmem>>) dst(%dma_wait3A_30 : memref<8192xf32, #tpu.memory_space<hbm>>)
      tpu.yield
    }) : () -> ()
    return
  }
}

</mosaic_0001>

<sc_bundles>
// kernel: _nv_sc.3.cloned.1.call-start
scs
__scs_entry_jumppad:
0x0: {  	(pc) =	sbr.rel $0x88, $3  }
0x1: {  	(tag) =	ssettag $0x0;
	lr =	simm.s32 $0x1  }
0x2: {  	[smem:$0x3F9F] =	sst lr;
	_ =	strace $0xD0000000  }
0x3: {  	_ = 	snop  }
0x4: {  	_ = 	snop  }
0x5: {  	_ = 	snop  }
0x6: {  	_ = 	snop  }
0x7: {  	_ = 	snop  }
__scs_overlays_trampoline_lowered:
0x8: {  	[smem:$0x3FAE] =	sst s0  }
0x9: {  	[smem:$0x3FAF] =	sst s1  }
0xa: {  	[smem:$0x3FB0] =	sst s2  }
0xb: {  	[smem:$0x3FB1] =	sst s3  }
0xc: {  	[smem:$0x3FB2] =	sst s4  }
0xd: {  	[smem:$0x3FB3] =	sst s5  }
0xe: {  	[smem:$0x3FB4] =	sst s6  }
0xf: {  	[smem:$0x3FB5] =	sst s7  }
0x10: {  	[smem:$0x3FB6] =	sst s8  }
0x11: {  	[smem:$0x3FB7] =	sst s9;
	s0 =	simm.s32 @!p0 $0x0  }
0x12: {  	s1 =	sld [smem:$0x3F9D];
	s0 =	simm.s32 @p0 $0x1  }
0x13: {  	[smem:$0x3FB8] =	sst s0;
	s0 =	simm.s32 @!p1 $0x0  }
0x14: {  	s2 =	sld [smem:$0x3F9C];
	s0 =	simm.s32 @p1 $0x1  }
0x15: {  	[smem:$0x3FB9] =	sst s0;
	s0 =	simm.s32 @!p2 $0x0  }
0x16: {  	s3 =	sld [smem:$0x3FDB];
	s0 =	simm.s32 @p2 $0x1  }
0x17: {  	s4 =	simm.s32 $0x1BF5;
	[smem:$0x3FBB] =	sst s0  }
0x18: {  	s0 =	sld [smem:$0x3F9E];
	_ =	swait.ge [sflag:s4], $0x0  }
0x19: {  	s7 =	sld [smem:$0x3F9F]  }
0x1a: {  	s8 =	sadd.s32 $0xFFFFE003, lr  }
0x1b: {  	s9 =	sadd.s32 $0xFFFFFEF7, lr;
	s5 =	simm.s32 $0xFFFFFFFF;
	p2 =	slt.u32 s8, $0xFFFFF086  }
0x1c: {  	p1 =	slt.u32 s9, $0xF7A;
	s5 =	simm.s32 @!p2 $0x0  }
0x1d: {  	s5 =	simm.s32 @p1 $0x1;
	p0 =	seq.s32 s7, s2  }
0x1e: {  	s7 =	smul.u32 @!p0 $0xF7A, s2;
	p2 =	seq.s32 @!p0 s5, $0x0  }
0x1f: {  	s9 =	smul.u32 $0xF7A, s1;
	s8 =	simm.s32 @!p0 $0x1BF5;
	p2 =	por !p2, p0  }
0x20: {  	[sflag:s8] =	ssyncset.s32 @!p0 $0xFFFFF086;
	s6 =	sadd.s32 @!p0 s3, s7;
	s7 =	simm.s32 @!p0 $0x108  }
0x21: {  	s3 =	sadd.s32 s3, s9;
	s6 =	sadd.s32 @!p0 $0x88, s6;
	s7 =	simm.s32 @p2 $0x1082  }
0x22: {  	[simem:s7], [sflag:s8] =	dma.local @!p0 [hbm:s6], $0xF7A  }
0x23: {  	s9 =	sor.u32 $0xD0000000, s2;
	s6 =	simm.s32 $0x108;
	_ =	swait.ge @!p0 [sflag:s8], $0x0  }
0x24: {  	s3 =	sadd.s32 $0x88, s3;
	s6 =	simm.s32 @!p1 $0x1082;
	[sflag:s4] =	ssyncset.s32 $0xFFFFF086  }
0x25: {  	[simem:s6], [sflag:s4] =	dma.local [hbm:s3], $0xF7A  }
0x26: {  	[smem:$0x3F9F] =	sst s1;
	(tag) =	ssettag s2;
	_ =	strace s9  }
0x27: {  	s1 =	sld [smem:$0x3FAF]  }
0x28: {  	s2 =	sld [smem:$0x3FB0]  }
0x29: {  	s4 =	sld [smem:$0x3FB2]  }
0x2a: {  	p0 =	seq.s32 s5, $0x0;
	s5 =	sld [smem:$0x3FB3]  }
0x2b: {  	s6 =	sld [smem:$0x3FB4]  }
0x2c: {  	s7 =	sld [smem:$0x3FB5]  }
0x2d: {  	s3 =	simm.s32 $0x108;
	s8 =	sld [smem:$0x3FB6]  }
0x2e: {  	s3 =	simm.s32 @!p0 $0x1082;
	s9 =	sld [smem:$0x3FB7]  }
0x2f: {  	lr =	sadd.s32 s0, s3;
	s0 =	sld [smem:$0x3FAE]  }
0x30: {  	s3 =	sld [smem:$0x3FB1]  }
0x31: {  	[smem:$0x3FBA] =	sst s10  }
0x32: {  	s10 =	sld [smem:$0x3FB8];
	_ =	sdelay $0x3  }
0x33: {  	p0 =	seq.s32 s10, $0x1;
	s10 =	sld [smem:$0x3FBA];
	_ =	sdelay $0x3  }
0x34: {  	[smem:$0x3FBA] =	sst s10  }
0x35: {  	s10 =	sld [smem:$0x3FB9];
	_ =	sdelay $0x3  }
0x36: {  	p1 =	seq.s32 s10, $0x1;
	s10 =	sld [smem:$0x3FBA];
	_ =	sdelay $0x3  }
0x37: {  	[smem:$0x3FBA] =	sst s10  }
0x38: {  	s10 =	sld [smem:$0x3FBB]  }
0x39: {  	_ = 	snop;
	(pc) =	sbr.ind lr, $3  }
0x3a: {  	_ = 	snop  }
0x3b: {  	_ = 	snop  }
0x3c: {  	p2 =	seq.s32 s10, $0x1;
	s10 =	sld [smem:$0x3FBA]  }
0x3d: {  	_ =	shalt  }
0x3e: {  	_ =	shalt  }
0x3f: {  	_ =	shalt  }
0x40: {  	_ =	shalt  }
0x41: {  	_ =	shalt  }
0x42: {  	_ =	shalt  }
0x43: {  	_ =	shalt  }
0x44: {  	_ =	shalt  }
0x45: {  	_ =	shalt  }
0x46: {  	_ =	shalt  }
0x47: {  	_ =	shalt  }
0x48: {  	_ =	shalt  }
0x49: {  	_ =	shalt  }
0x4a: {  	_ =	shalt  }
0x4b: {  	_ =	shalt  }
0x4c: {  	_ =	shalt  }
0x4d: {  	_ =	shalt  }
0x4e: {  	_ =	shalt  }
0x4f: {  	_ =	shalt  }
0x50: {  	_ =	shalt  }
0x51: {  	_ =	shalt  }
0x52: {  	_ =	shalt  }
0x53: {  	_ =	shalt  }
0x54: {  	_ =	shalt  }
0x55: {  	_ =	shalt  }
0x56: {  	_ =	shalt  }
0x57: {  	_ =	shalt  }
0x58: {  	_ =	shalt  }
0x59: {  	_ =	shalt  }
0x5a: {  	_ =	shalt  }
0x5b: {  	_ =	shalt  }
0x5c: {  	_ =	shalt  }
0x5d: {  	_ =	shalt  }
0x5e: {  	_ =	shalt  }
0x5f: {  	_ =	shalt  }
0x60: {  	_ =	shalt  }
0x61: {  	_ =	shalt  }
0x62: {  	_ =	shalt  }
0x63: {  	_ =	shalt  }
0x64: {  	_ =	shalt  }
0x65: {  	_ =	shalt  }
0x66: {  	_ =	shalt  }
0x67: {  	_ =	shalt  }
0x68: {  	_ =	shalt  }
0x69: {  	_ =	shalt  }
0x6a: {  	_ =	shalt  }
0x6b: {  	_ =	shalt  }
0x6c: {  	_ =	shalt  }
0x6d: {  	_ =	shalt  }
0x6e: {  	_ =	shalt  }
0x6f: {  	_ =	shalt  }
0x70: {  	_ =	shalt  }
0x71: {  	_ =	shalt  }
0x72: {  	_ =	shalt  }
0x73: {  	_ =	shalt  }
0x74: {  	_ =	shalt  }
0x75: {  	_ =	shalt  }
0x76: {  	_ =	shalt  }
0x77: {  	_ =	shalt  }
0x78: {  	_ =	shalt  }
0x79: {  	_ =	shalt  }
0x7a: {  	_ =	shalt  }
0x7b: {  	_ =	shalt  }
0x7c: {  	_ =	shalt  }
0x7d: {  	_ =	shalt  }
0x7e: {  	_ =	shalt  }
0x7f: {  	_ =	shalt  }
0x80: {  	_ =	shalt  }
0x81: {  	_ =	shalt  }
0x82: {  	_ =	shalt  }
0x83: {  	_ =	shalt  }
0x84: {  	_ =	shalt  }
0x85: {  	_ =	shalt  }
0x86: {  	_ =	shalt  }
0x87: {  	_ =	shalt  }
.Lfunc_end0:
.L_simem_size_0:
called_computation_lowered:
.L_overlay_start_0:
0x88: {  	s2 =	sld [smem:$0x3FD9]  }
0x89: {  	s3 =	sld [smem:$0x3FFE];
	_ =	sdelay $0x1  }
0x8a: {  	s1 =	srdreg.scid  }
0x8b: {  	s0 =	sand.u32 $0x1, s1  }
0x8c: {  	s18 =	sshll.u32 s0, $0xA;
	s2 =	sadd.s32 s3, s2  }
0x8d: {  	s2 =	sadd.s32 s2, s18  }
0x8e: {  	[smem:$0x3FC6] =	sst s2  }
0x8f: {  	_ = 	snop  }
0x90: {  	s2 =	sld [smem:$0x3FC9]  }
0x91: {  	s19 =	sld [smem:$0x3FC8]  }
0x92: {  	s4 =	sld [smem:$0x3FD0];
	(tm) =	ssettm $0x1  }
0x93: {  	s5 =	sld [smem:$0x3FFB];
	_ =	sdelay $0x3  }
0x94: {  	_ =	strace s5  }
0x95: {  	s5 =	sld [smem:$0x3FFC];
	_ =	sdelay $0x3  }
0x96: {  	_ =	strace s5  }
0x97: {  	s5 =	sld [smem:$0x3FFD];
	_ =	sdelay $0x3  }
0x98: {  	_ =	strace s5  }
0x99: {  	_ =	strace $0x8FFFFFFF  }
0x9a: {  	s20 =	sld [smem:$0x3FDB];
	_ =	sdelay $0x1  }
0x9b: {  	s6 =	simm.s32 $_scs_section_size  }
0x9c: {  	s7 =	simm.s32 $_size__tile_overlayer_lowered;
	s8 =	simm.s32 $_tile_overlayer_lowered  }
0x9d: {  	s23 =	simm.s32 $0x1BFF;
	s22 =	sshll.u32 s8, $0x1;
	s5 =	sadd.s32 s6, s20  }
0x9e: {  	s9 =	simm.s32 $0x0;
	s21 =	sshll.u32 s7, $0x1;
	s7 =	sadd.s32 s22, s5  }
0x9f: {  	[timem:s9], [sflag:s23] =	dma.local [hbm:s7], s21  }
0xa0: {  	_ =	swait.ge [sflag:s23], s21  }
0xa1: {  	s6 =	ssub.s32 $0x0, s21;
	[sflag:s23] =	ssyncset.done $0x0  }
0xa2: {  	[sflag:s23] =	ssyncadd.s32 s6;
	_ =	sdelay $0x1  }
0xa3: {  	s24 =	simm.s32 $0x1B8B  }
0xa4: {  	_ =	swait.ge [sflag:s24], $0x1  }
0xa5: {  	[sflag:s24] =	ssyncset.done $0x0  }
0xa6: {  	s25 =	simm.s32 $0x1B8E;
	[sflag:s24] =	ssyncadd.s32 $0xFFFFFFFF  }
0xa7: {  	s26 =	simm.s32 $execute0_lowered;
	[smem:$0x3FD2] =	sst s25  }
0xa8: {  	s6 =	sshll.u32 s26, $0x1;
	_ =	strace $0x80000046;
	[dreg:$0x1] =	wrdreg $0xFFFFFFFF  }
0xa9: {  	s28 =	simm.s32 $_size_execute0_lowered;
	s5 =	sadd.s32 s5, s6;
	[dreg:$0x0] =	wrdreg $0x0  }
0xaa: {  	s6 =	sshll.u32 s28, $0x1;
	[dreg:$0x2] =	wrdreg s5  }
0xab: {  	[dreg:$0x3] =	wrdreg s6  }
0xac: {  	[dreg:$0x4] =	wrdreg $0xC0  }
0xad: {  	_ =	task [dreg:s9], $0x5FFFF  }
0xae: {  	[dreg:$0x1] =	wrdreg $0xFFFFFFFF  }
0xaf: {  	[dreg:$0x0] =	wrdreg $0x60  }
0xb0: {  	[dreg:$0x2] =	wrdreg s2  }
0xb1: {  	[dreg:$0x3] =	wrdreg s19  }
0xb2: {  	[dreg:$0x4] =	wrdreg s4  }
0xb3: {  	[dreg:$0x5] =	wrdreg $0x9  }
0xb4: {  	_ =	task.clear_ibuf [dreg:s9], $0x6FFFF;
	_ =	strace $0x90000046  }
0xb5: {  	s29 =	simm.s32 $0x9;
	_ =	strace $0x80000048  }
0xb6: {  	_ =	swait.ge [sflag:s29], $0x1  }
0xb7: {  	[sflag:s29] =	ssyncadd.s32 $0xFFFFFFFF  }
0xb8: {  	_ =	strace $0x90000048  }
0xb9: {  	_ =	sfence  }
0xba: {  	s30 =	sld [smem:$0x0];
	_ =	sdelay $0x2  }
0xbb: {  	s31 =	sshll.u32 s1, $0xD;
	s1 =	sshrl.u32 s1, $0x2  }
0xbc: {  	s3 =	sand.u32 $0x4000, s31;
	s1 =	sadd.s32 s1, s30  }
0xbd: {  	s0 =	sor.u32 s3, s0;
	s1 =	sshll.u32 s1, $0x11  }
0xbe: {  	s0 =	sor.u32 s1, s0  }
0xbf: {  	s0 =	sadd.s32 $0x8F2B, s0  }
0xc0: {  	[sflag:s0] =	ssyncadd.remote.s32 $0x1  }
0xc1: {  	_ =	sfence.sel $0xFFFF  }
0xc2: {  	[dreg:$0x0] =	wrdreg $0xFFFFFFFF;
	(pc) =	sbr.abs _section_cstart, $3  }
0xc3: {  	[dreg:$0x1] =	wrdreg $0xFFFFFFFF  }
0xc4: {  	_ =	task.clear_ibuf [dreg:s9], $0x2FFFF;
	_ =	strace $0x9FFFFFFF  }
0xc5: {  	(tm) =	ssettm $0x7FFFFFFF  }
tec
execute0_lowered:
.L_overlay_start_1:
0x0: {  	(tag) =	ssettag $0x1  }
0x1: {  	s3 =	rddreg [dreg:$0x0]  }
0x2: {  	s4 =	rddreg [dreg:$0x1]  }
0x3: {  	s5 =	rddreg [dreg:$0x2]  }
0x4: {  	s0 =	rddreg [dreg:$0x3];
	s6 =	srdreg.scid  }
0x5: {  	s2 =	simm.s32 $0x0;
	s1 =	stileid.u32;
	s10 =	simm.s32 $0x2  }
0x6: {  	s11 =	simm.s32 $0x0;
	s6 =	sand.u32 $0x1, s6;
	s8 =	sshll.u32 s1, $0x1  }
0x7: {  	[smem:$0x7FF] =	sst s2;
	s7 =	ssub.s32 $0x2, s6;
	s6 =	sor.u32 s6, s8  }
0x8: {  	_ =	strace $0x80000047;
	s9 =	sshrl.u32 s7, $0x1;
	s8 =	sshll.u32 s6, $0x5  }
0x9: {  	s6 =	sshll.u32 s6, $0xA;
	s7 =	ssub.s32 s7, s9;
	s3 =	sadd.s32 s3, s8  }
0xa: {  	v1 =	vimm.f32 $1.000000000e+00;
	vm0 =	vcmask $0x1F00;
	s4 =	sadd.s32 s4, s6;
	s5 =	sadd.s32 s5, s6;
	s8 =	simm.s32 $0x1  }
0xb: {  	v0 =	vimm.s32 $0x7;
	v1 =	vsel vm0, $0x0, v1;
	s9 =	simm.s32 $0x2100;
	s6 =	smax.u32 s7, $0x1;
	s7 =	simm.s32 $0x100  }
.LBB2_1:
0xc: {  	[tilespmem:s2], [sflag:$0x1] =	stream.linear.gather [hbm4b:s3+s2], $0x100, $0x38;
	[tilespmem:$0x4100] =	vst v63  }
0xd: {  	_ = 	snop  }
0xe: {  	[tilespmem:s7], [sflag:$0x1] =	stream.linear.gather [hbm4b:s4+s2], $0x2000, $0x38;
	[tilespmem:$0x4100] =	vst v63  }
0xf: {  	_ =	swait.ge [sflag:s8], $0x100  }
0x10: {  	[sflag:s8] =	ssyncset.done $0x0  }
0x11: {  	[sflag:s8] =	ssyncadd.s32 $0xFFFFFF00  }
0x12: {  	_ =	swait.ge [sflag:s8], $0x2000  }
0x13: {  	[sflag:s8] =	ssyncset.done $0x0  }
0x14: {  	s12 =	simm.s32 $0x140;
	[sflag:s8] =	ssyncadd.s32 $0xFFFFE000  }
0x15: {  	v5 =	vld [tilespmem:s12+$0xFFFFFFD0];
	_ =	sdelay $0x1  }
0x16: {  	v7 =	vld [tilespmem:s12+$0x10];
	_ =	sdelay $0x1  }
0x17: {  	v9 =	vld [tilespmem:s12+$0x30]  }
0x18: {  	v3 =	vand.u32 $0xFF, v5  }
0x19: {  	v10 =	vld [tilespmem:s12+$0x20]  }
0x1a: {  	v2 =	vld [tilespmem:s12+$0xFFFFFFE0];
	v4 =	vand.u32 $0xFF, v7  }
0x1b: {  	v11 =	vld [tilespmem:s12+$0xFFFFFFC0]  }
0x1c: {  	v12 =	vand.u32 $0xFF, v9  }
0x1d: {  	v6 =	vld.idx.msk [tilespmem:v3+s2+$0x0], $0xffff  }
0x1e: {  	v8 =	vld [tilespmem:s12+$0x0]  }
0x1f: {  	v13 =	vshrl.u32 v7, $0xC;
	v15 =	vand.u32 $0xFF, v10;
	v16 =	vand.u32 $0xFF, v2;
	v4 =	vld.idx.msk [tilespmem:v4+s2+$0x0], $0xffff  }
0x20: {  	v19 =	vand.u32 $0xFF, v11;
	v17 =	vand.u32 $0x7, v13;
	v13 =	vld [tilespmem:s12+$0xFFFFFFF0];
	v3 =	vshrl.u32 v5, $0xC  }
0x21: {  	v18 =	vcvt.s32.f32 v17;
	v12 =	vld.idx.msk [tilespmem:v12+s2+$0x0], $0xffff;
	v14 =	vand.u32 $0x7, v3;
	v3 =	vshrl.u32 v2, $0xC  }
0x22: {  	v57 =	vshrl.u32 v11, $0xC;
	v3 =	vand.u32 $0x7, v3;
	v20 =	vcvt.s32.f32 v14;
	(xrf2) =	vadd.scan.msk.f32 $0xffff, v6  }
0x23: {  	v58 =	vshrl.u32 v10, $0xC;
	v6 =	vmax.f32 v18, $1.000000000e+00;
	v18 =	vcvt.s32.f32 v3  }
0x24: {  	(erf) = vrcp.f32 v6;
	v6 =	vmax.f32 v20, $1.000000000e+00;
	v20 =	vshrl.u32 v9, $0xC;
	(xrf2) =	vadd.scan.msk.f32 $0xffff, v4  }
0x25: {  	v4 =	vld.idx.msk [tilespmem:v16+s2+$0x0], $0xffff;
	v16 =	vshrl.u32 v8, $0xC;
	(erf) = vrcp.f32 v6;
	v20 =	vand.u32 $0x7, v20  }
0x26: {  	v18 =	vmax.f32 v18, $1.000000000e+00;
	v6 =	vshrl.u32 v13, $0xC;
	(xrf2) =	vadd.scan.msk.f32 $0xffff, v12;
	v22 =	vcvt.s32.f32 v20  }
0x27: {  	v23 =	vand.u32 $0x7, v6;
	v6 =	vand.u32 $0x7, v16;
	(erf) = vrcp.f32 v18  }
0x28: {  	v18 =	vand.u32 $0xFF, v13;
	v16 =	vcvt.s32.f32 v23;
	v24 =	vcvt.s32.f32 v6  }
0x29: {  	vm0 =	veq.s32 v23, $0x0;
	v23 =	vand.u32 $0x7, v58;
	v12 =	vmax.f32 v22, $1.000000000e+00  }
0x2a: {  	v22 =	vand.u32 $0x7, v57;
	v59 =	vcvt.s32.f32 v23;
	(erf) = vrcp.f32 v12  }
0x2b: {  	(xrf2) =	vadd.scan.msk.f32 $0xffff, v4;
	v12 =	vmax.f32 v16, $1.000000000e+00;
	v16 =	vcvt.s32.f32 v22;
	v4 =	vshrl.u32 v13, $0x8;
	v13 =	vld.idx.msk [tilespmem:v15+s2+$0x0], $0xffff  }
0x2c: {  	v21 =	vand.u32 $0xFF, v8;
	v24 =	vmax.f32 v24, $1.000000000e+00;
	v25, _, _ =	vpop (xrf2)  }
0x2d: {  	(erf) = vrcp.f32 v24;
	v15 =	vmax.f32 v16, $1.000000000e+00;
	v16 =	vmax.f32 v59, $1.000000000e+00;
	v27 =	vpop (erf)  }
0x2e: {  	v19 =	vld.idx.msk [tilespmem:v19+s2+$0x0], $0xffff;
	(erf) = vrcp.f32 v12;
	v12, _, _ =	vpop (xrf2)  }
0x2f: {  	v7 =	vshrl.u32 v7, $0x8;
	v26 =	vperm.xlane v25, v0;
	v61 =	vpop (erf)  }
0x30: {  	v5 =	vshrl.u32 v5, $0x8;
	(erf) = vrcp.f32 v16;
	v62 =	vperm.xlane v12, v0;
	v16, _, _ =	vpop (xrf2);
	(xrf2) =	vadd.scan.msk.f32 $0xffff, v13  }
0x31: {  	v21 =	vld.idx.msk [tilespmem:v21+s2+$0x0], $0xffff;
	v5 =	vperm.xlane v25, v5;
	v7 =	vperm.xlane v12, v7  }
0x32: {  	v60 =	vmul.f32 v1, v26;
	v63 =	vmul.f32 v1, v62  }
0x33: {  	vm2 =	veq.s32 v17, $0x0;
	vm1 =	veq.s32 v14, $0x0;
	(xrf2) =	vadd.scan.msk.f32 $0xffff, v19  }
0x34: {  	v14 =	vshrl.u32 v11, $0x8;
	v18 =	vld.idx.msk [tilespmem:v18+s2+$0x0], $0xffff;
	v12 =	vpop (erf);
	v5 =	vsub.f32 v5, v60;
	v7 =	vsub.f32 v7, v63  }
0x35: {  	v8 =	vshrl.u32 v8, $0x8;
	v11 =	vsel vm1, $0x0, v61;
	(erf) = vrcp.f32 v15;
	v15 =	vpop (erf)  }
0x36: {  	v9 =	vshrl.u32 v9, $0x8;
	v13 =	vshrl.u32 v10, $0x8;
	(xrf2) =	vadd.scan.msk.f32 $0xffff, v21;
	v10 =	vpop (erf);
	v5 =	vmul.f32 v11, v5  }
0x37: {  	s13 =	simm.s32 $0x2140;
	vm3 =	veq.s32 v20, $0x0;
	vm1 =	veq.s32 v22, $0x0;
	v19, _, _ =	vpop (xrf2);
	v11 =	vsel vm2, $0x0, v27  }
0x38: {  	s14 =	simm.s32 $0x0;
	s15 =	simm.s32 $0x1C0;
	s12 =	simm.s32 $0x2140;
	v17 =	vperm.xlane v16, v9;
	vm2 =	veq.s32 v23, $0x0;
	v11 =	vmul.f32 v11, v7;
	[tilespmem:s13+$0xFFFFFFD0] =	vst v5;
	v7 =	vpop (erf)  }
.LBB2_2:
0x39: {  	v9 =	vld [tilespmem:s15+$0xFFFFFFD0];
	s14 =	sadd.s32 $0x8, s14;
	v2 =	vshrl.u32 v2, $0x8;
	vm4 =	veq.s32 v3, $0x0;
	v3 =	vperm.xlane v16, v0;
	s13 =	sadd.s32 $0x80, s13;
	(xrf2) =	vadd.scan.msk.f32 $0xffff, v18  }
0x3a: {  	v16 =	vperm.xlane v19, v0;
	v18 =	vsel vm0, $0x0, v7;
	vm0 =	veq.s32 v6, $0x0;
	v5 =	vld [tilespmem:s15+$0x30];
	p0 =	slt.u32 s14, $0x1F8;
	v6, _, _ =	vpop (xrf2)  }
0x3b: {  	v19 =	vperm.xlane v19, v2;
	v20 =	vsel vm0, $0x0, v10;
	v7 =	vld [tilespmem:s15+$0x20];
	[tilespmem:s12+$0x10] =	vst v11;
	v2 =	vmul.f32 v1, v3  }
0x3c: {  	v15 =	vsel vm3, $0x0, v15;
	v3 =	vmul.f32 v1, v16;
	v16 =	vperm.xlane v6, v0;
	v11 =	vld [tilespmem:s15+$0x10];
	v21 =	vpop (erf)  }
0x3d: {  	v6 =	vperm.xlane v6, v13;
	v10 =	vld [tilespmem:s15+$0xFFFFFFC0];
	v21 =	vsel vm2, $0x0, v21;
	v17 =	vsub.f32 v17, v2;
	v22, _, _ =	vpop (xrf2)  }
0x3e: {  	v12 =	vsel vm4, $0x0, v12;
	v13 =	vshrl.u32 v9, $0xC;
	v23 =	vand.u32 $0xFF, v9;
	v2 =	vld [tilespmem:s15+$0xFFFFFFE0];
	v24 =	vpop (erf)  }
0x3f: {  	v3 =	vsub.f32 v19, v3;
	v13 =	vand.u32 $0x7, v13;
	v25 =	vld [tilespmem:s15+$0x0];
	v15 =	vmul.f32 v15, v17  }
0x40: {  	v26 =	vand.u32 $0xFF, v5;
	v24 =	vsel vm1, $0x0, v24;
	v17 =	vld [tilespmem:s15+$0xFFFFFFF0];
	v19 =	vand.u32 $0xFF, v7;
	v27, _, _ =	vpop (xrf2)  }
0x41: {  	v14 =	vperm.xlane v22, v14;
	v30 =	vmul.f32 v12, v3;
	v28 =	vand.u32 $0xFF, v11;
	[tilespmem:s12+$0x30] =	vst v15  }
0x42: {  	v16 =	vmul.f32 v1, v16;
	v15 =	vperm.xlane v27, v0;
	v12 =	vand.u32 $0xFF, v10  }
0x43: {  	v22 =	vperm.xlane v22, v0;
	v8 =	vperm.xlane v27, v8;
	v23 =	vld.idx.msk [tilespmem:v23+s2+$0x0], $0xffff;
	v29 =	vand.u32 $0xFF, v2;
	[tilespmem:s12+$0xFFFFFFE0] =	vst v30;
	v3, _, _ =	vpop (xrf2)  }
0x44: {  	v6 =	vsub.f32 v6, v16;
	v27 =	vand.u32 $0xFF, v25;
	v4 =	vperm.xlane v3, v4  }
0x45: {  	v30 =	vshrl.u32 v11, $0xC;
	v31 =	vperm.xlane v3, v0;
	v16 =	vand.u32 $0xFF, v17;
	v19 =	vld.idx.msk [tilespmem:v19+s2+$0x0], $0xffff  }
0x46: {  	v6 =	vmul.f32 v21, v6;
	v15 =	vmul.f32 v1, v15;
	v30 =	vand.u32 $0x7, v30;
	v28 =	vld.idx.msk [tilespmem:v28+s2+$0x0], $0xffff  }
0x47: {  	v22 =	vmul.f32 v1, v22;
	v3 =	vshrl.u32 v2, $0xC;
	v21 =	vcvt.s32.f32 v30;
	v26 =	vld.idx.msk [tilespmem:v26+s2+$0x0], $0xffff  }
0x48: {  	v3 =	vand.u32 $0x7, v3;
	v8 =	vsub.f32 v8, v15;
	v31 =	vmul.f32 v1, v31;
	v29 =	vld.idx.msk [tilespmem:v29+s2+$0x0], $0xffff;
	[tilespmem:s12+$0x20] =	vst v6  }
0x49: {  	v14 =	vsub.f32 v14, v22;
	v15 =	vmax.f32 v21, $1.000000000e+00;
	v6 =	vcvt.s32.f32 v13  }
0x4a: {  	v8 =	vmul.f32 v20, v8;
	v4 =	vsub.f32 v4, v31;
	(xrf2) =	vadd.scan.msk.f32 $0xffff, v23;
	(erf) = vrcp.f32 v15  }
0x4b: {  	v14 =	vmul.f32 v24, v14;
	v6 =	vmax.f32 v6, $1.000000000e+00;
	v15 =	vcvt.s32.f32 v3  }
0x4c: {  	v20 =	vshrl.u32 v5, $0xC;
	v4 =	vmul.f32 v18, v4;
	(erf) = vrcp.f32 v6;
	[tilespmem:s12+$0x0] =	vst v8  }
0x4d: {  	v20 =	vand.u32 $0x7, v20;
	v8 =	vmax.f32 v15, $1.000000000e+00;
	(xrf2) =	vadd.scan.msk.f32 $0xffff, v28;
	[tilespmem:s12+$0xFFFFFFC0] =	vst v14  }
0x4e: {  	v6 =	vshrl.u32 v17, $0xC;
	v15 =	vcvt.s32.f32 v20;
	v14 =	vshrl.u32 v25, $0xC;
	[tilespmem:s12+$0xFFFFFFF0] =	vst v4;
	s12 =	smov.u32 s13  }
0x4f: {  	v4 =	vand.u32 $0x7, v6;
	v6 =	vand.u32 $0x7, v14;
	(erf) = vrcp.f32 v8  }
0x50: {  	v15 =	vmax.f32 v15, $1.000000000e+00;
	v8 =	vcvt.s32.f32 v4;
	v14 =	vcvt.s32.f32 v6;
	(xrf2) =	vadd.scan.msk.f32 $0xffff, v26  }
0x51: {  	v18 =	vshrl.u32 v10, $0xC;
	vm0 =	veq.s32 v4, $0x0;
	v4 =	vshrl.u32 v7, $0xC  }
0x52: {  	v8 =	vmax.f32 v8, $1.000000000e+00;
	v14 =	vmax.f32 v14, $1.000000000e+00;
	(erf) = vrcp.f32 v15  }
0x53: {  	v21 =	vand.u32 $0x7, v18;
	v22 =	vand.u32 $0x7, v4;
	v15 =	vld.idx.msk [tilespmem:v12+s2+$0x0], $0xffff;
	(xrf2) =	vadd.scan.msk.f32 $0xffff, v29;
	(erf) = vrcp.f32 v14;
	v23 =	vpop (erf)  }
0x54: {  	v28 =	vcvt.s32.f32 v21;
	v14 =	vcvt.s32.f32 v22;
	v18, _, _ =	vpop (xrf2)  }
0x55: {  	v4 =	vshrl.u32 v17, $0x8;
	v24 =	vperm.xlane v18, v0;
	v17 =	vpop (erf);
	(erf) = vrcp.f32 v8  }
0x56: {  	v26 =	vmax.f32 v28, $1.000000000e+00;
	v8 =	vshrl.u32 v9, $0x8;
	v14 =	vmax.f32 v14, $1.000000000e+00;
	v9 =	vld.idx.msk [tilespmem:v27+s2+$0x0], $0xffff;
	(xrf2) =	vadd.scan.msk.f32 $0xffff, v19  }
0x57: {  	v11 =	vshrl.u32 v11, $0x8;
	v18 =	vperm.xlane v18, v8;
	v19 =	vmul.f32 v1, v24;
	v12, _, _ =	vpop (xrf2)  }
0x58: {  	v8 =	vshrl.u32 v25, $0x8;
	v11 =	vperm.xlane v12, v11;
	v24 =	vperm.xlane v12, v0;
	v12 =	vpop (erf)  }
0x59: {  	vm1 =	veq.s32 v13, $0x0;
	v13 =	vsub.f32 v18, v19;
	v18 =	vld.idx.msk [tilespmem:v16+s2+$0x0], $0xffff;
	(xrf2) =	vadd.scan.msk.f32 $0xffff, v15;
	(erf) = vrcp.f32 v14  }
.Ltmp0:
0x5a: {  	v25 =	vsel vm1, $0x0, v17;
	v14 =	vshrl.u32 v10, $0x8;
	v17 =	vmul.f32 v1, v24;
	v16, _, _ =	vpop (xrf2);
	(pc) =	sbr.rel @p0 .LBB2_2-.Ltmp0, $4  }
0x5b: {  	v24 =	vmul.f32 v25, v13;
	v13 =	vshrl.u32 v7, $0x8;
	(erf) = vrcp.f32 v26;
	v15 =	vpop (erf)  }
0x5c: {  	vm2 =	veq.s32 v30, $0x0;
	vm1 =	veq.s32 v21, $0x0;
	v21 =	vsub.f32 v11, v17;
	v10 =	vpop (erf);
	(xrf2) =	vadd.scan.msk.f32 $0xffff, v9  }
0x5d: {  	v5 =	vshrl.u32 v5, $0x8;
	vm3 =	veq.s32 v20, $0x0;
	v9 =	vsel vm2, $0x0, v23;
	[tilespmem:s13+$0xFFFFFFD0] =	vst v24;
	v19, _, _ =	vpop (xrf2)  }
0x5e: {  	s15 =	sadd.s32 $0x80, s15;
	vm2 =	veq.s32 v22, $0x0;
	v17 =	vperm.xlane v16, v5;
	v11 =	vmul.f32 v9, v21;
	v7 =	vpop (erf)  }
0x5f: {  	(xrf2) =	vadd.scan.msk.f32 $0xffff, v18;
	_ =	sdelay $0x2  }
0x60: {  	v5 =	vperm.xlane v16, v0  }
0x61: {  	v2 =	vshrl.u32 v2, $0x8;
	v9 =	vperm.xlane v19, v0  }
0x62: {  	v2 =	vperm.xlane v19, v2;
	v49, _, _ =	vpop (xrf2);
	v5 =	vmul.f32 v1, v5  }
0x63: {  	vm4 =	veq.s32 v3, $0x0;
	v3 =	vmul.f32 v1, v9;
	v51 =	vperm.xlane v49, v0  }
0x64: {  	v15 =	vsel vm3, $0x0, v15;
	v13 =	vperm.xlane v49, v13;
	v5 =	vsub.f32 v17, v5;
	v52, _, _ =	vpop (xrf2)  }
0x65: {  	v50 =	vpop (erf);
	v17 =	vmul.f32 v1, v51;
	v2 =	vsub.f32 v2, v3;
	v14 =	vperm.xlane v52, v14  }
0x66: {  	v12 =	vsel vm4, $0x0, v12;
	v3 =	vperm.xlane v52, v0;
	v5 =	vmul.f32 v15, v5;
	v53, _, _ =	vpop (xrf2)  }
0x67: {  	vm15 =	veq.s32 v6, $0x0;
	v2 =	vmul.f32 v12, v2;
	v54 =	vperm.xlane v53, v0;
	v55, _, _ =	vpop (xrf2)  }
0x68: {  	v9 =	vsel vm2, $0x0, v50;
	v3 =	vmul.f32 v1, v3;
	v56 =	vperm.xlane v55, v0  }
0x69: {  	v57 =	vsub.f32 v13, v17;
	v6 =	vperm.xlane v53, v8;
	v15 =	vmul.f32 v1, v54  }
0x6a: {  	[tilespmem:s12+$0x10] =	vst v11;
	v59 =	vpop (erf);
	v3 =	vsub.f32 v14, v3;
	v4 =	vperm.xlane v55, v4;
	v58 =	vmul.f32 v1, v56  }
0x6b: {  	v61 =	vsel vm1, $0x0, v59;
	[tilespmem:s12+$0x30] =	vst v5;
	v60 =	vmul.f32 v9, v57;
	v6 =	vsub.f32 v6, v15  }
0x6c: {  	v10 =	vsel vm15, $0x0, v10;
	[tilespmem:s12+$0xFFFFFFE0] =	vst v2;
	v3 =	vmul.f32 v61, v3;
	v2 =	vsub.f32 v4, v58  }
0x6d: {  	v63 =	vsel vm0, $0x0, v7;
	[tilespmem:s12+$0x20] =	vst v60;
	v62 =	vmul.f32 v10, v6  }
0x6e: {  	s11 =	sadd.s32 $0x1, s11;
	[tilespmem:s12+$0xFFFFFFC0] =	vst v3;
	v2 =	vmul.f32 v63, v2  }
0x6f: {  	p0 =	sne.s32 s11, s6;
	[tilespmem:s12+$0x0] =	vst v62  }
.Ltmp1:
0x70: {  	[tilespmem:s12+$0xFFFFFFF0] =	vst v2;
	(pc) =	sbr.rel @p0 .LBB2_1-.Ltmp1, $4  }
0x71: {  	[hbm4b:s5+s2] =	stream.linear.scatter [tilespmem:s9], [sflag:$0x2], $0x2000, $0x38;
	[tilespmem:$0x4100] =	vst v63  }
0x72: {  	_ =	swait.ge [sflag:s10], $0x2000  }
0x73: {  	[sflag:s10] =	ssyncset.done $0x0  }
0x74: {  	[sflag:s10] =	ssyncadd.s32 $0xFFFFE000  }
0x75: {  	_ =	sfence.sel $0x180000  }
0x76: {  	[bflag:$0x0] =	sbarrier.arrive $0xFFFF  }
0x77: {  	p0 =	sne.s32 s1, $0x0;
	_ =	strace $0x90000047  }
0x78: {  	s0 =	sadd.s32 @!p0 $0x100000, s0;
	[bflag:$0x2] =	sbarrier.arrive $0xFFFF  }
0x79: {  	[sflag:s0] =	ssyncadd.tile.s32 @!p0 $0x1;
	_ =	shalt  }
.Lfunc_end2:
_tile_overlayer_lowered:
.L_overlay_start_2:
0x7a: {  	(tag) =	ssettag $0x2  }
0x7b: {  	s0 =	rddreg [dreg:$0x0];
	s2 =	stileid.u32  }
0x7c: {  	s1 =	rddreg [dreg:$0x1];
	p0 =	sne.s32 s2, $0x0  }
0x7d: {  	s3 =	rddreg [dreg:$0x2];
	[bflag:$0x3] =	sbarrier.arrive $0xFFFF;
	s2 =	simm.s32 @!p0 $0x1C02  }
0x7e: {  	[timem:s3], [sflag:s2] =	dma.local @!p0 [hbm:s0], s1  }
0x7f: {  	s0 =	simm.s32 @!p0 $0x2  }
0x80: {  	_ =	swait.ge @!p0 [sflag:s0], s1  }
0x81: {  	s1 =	ssub.s32 @!p0 $0x0, s1;
	[sflag:s0] =	ssyncset.done @!p0 $0x0  }
0x82: {  	[sflag:s0] =	ssyncadd.s32 @!p0 s1  }
0x83: {  	[bflag:$0x3] =	sbarrier.arrive $0xFFFF  }
0x84: {  	_ =	shalt  }

</sc_bundles>
